<compile_context>
chip_gen: v7x
topology: tpu7x:2x2x1
jax: 0.10.2.dev20260603
libtpu: 0.0.44.dev20260713+nightly
codegen_flags: <defaults>
</compile_context>

<pallas_src>
import functools

import jax
import jax.numpy as jnp
from jax import lax
from jax.experimental import pallas as pl
from jax.experimental.pallas import tpu as pltpu
from jax.experimental.pallas import tpu_sc as plsc

_N = 10000
_E = 320000
_NE = 16
_NOUT1 = 32
_NOUT2 = 16
_NG = 32

_NC = 2
_NS = 16
_NW = _NC * _NS
_EPW = _E // _NW
_CH = 80
_NCHUNK = _EPW // _CH
_NP = 10240
_NSH = _NP // _NS


def _sc_mesh():
    return plsc.VectorSubcoreMesh(
        core_axis_name="c", subcore_axis_name="s",
        num_cores=_NC, num_subcores=_NS)



_NCHG = _EPW // _CH
_NOUTER_G = (_NCHG - 1) // 2


@functools.partial(jax.jit, static_argnames=("d",))
def _sc_gather(table, idx, d):
    @functools.partial(
        pl.kernel,
        out_type=jax.ShapeDtypeStruct((_E, d), jnp.float32),
        mesh=_sc_mesh(),
        scratch_types=[
            pltpu.VMEM((2, _CH), jnp.int32),
            pltpu.VMEM((2, _CH, d), jnp.float32),
            pltpu.SemaphoreType.DMA,
            pltpu.SemaphoreType.DMA,
            pltpu.SemaphoreType.DMA,
            pltpu.SemaphoreType.DMA,
            pltpu.SemaphoreType.DMA,
        ],
    )
    def k(table_hbm, idx_hbm, out_hbm, idx_v, rows_v, si0, si1, sg, ss0, ss1):
        wid = lax.axis_index("s") * _NC + lax.axis_index("c")
        base = wid * _EPW
        sidx = (si0, si1)
        sstore = (ss0, ss1)

        for b in (0, 1):
            pltpu.async_copy(idx_hbm.at[pl.ds(base + b * _CH, _CH)],
                             idx_v.at[b], sidx[b])

        def outer(t, carry):
            for b in (0, 1):
                ci = 2 * t + b
                off = base + ci * _CH
                pltpu.make_async_copy(idx_hbm.at[pl.ds(off, _CH)],
                                      idx_v.at[b], sidx[b]).wait()

                @pl.when(t > 0)
                def _():
                    pltpu.make_async_copy(rows_v.at[b],
                                          out_hbm.at[pl.ds(off, _CH)],
                                          sstore[b]).wait()

                pltpu.async_copy(table_hbm.at[idx_v.at[b]], rows_v.at[b], sg).wait()
                pltpu.async_copy(rows_v.at[b], out_hbm.at[pl.ds(off, _CH)],
                                 sstore[b])

                @pl.when(ci + 2 < _NCHG)
                def _():
                    pltpu.async_copy(idx_hbm.at[pl.ds(off + 2 * _CH, _CH)],
                                     idx_v.at[b], sidx[b])
            return carry

        lax.fori_loop(0, _NOUTER_G, outer, 0)

        off = base + (_NCHG - 1) * _CH
        pltpu.make_async_copy(idx_hbm.at[pl.ds(off, _CH)], idx_v.at[0], si0).wait()
        pltpu.make_async_copy(rows_v.at[0], out_hbm.at[pl.ds(off, _CH)], ss0).wait()
        pltpu.async_copy(table_hbm.at[idx_v.at[0]], rows_v.at[0], sg).wait()
        pltpu.sync_copy(rows_v.at[0], out_hbm.at[pl.ds(off, _CH)])
        pltpu.make_async_copy(rows_v.at[1], out_hbm.at[pl.ds(off, _CH)], ss1).wait()

    return k(table, idx)



_HALF = _NP // 2
_ACC = _HALF + 8
_RSH = _HALF // _NS
_EPT = _E // _NS
_NCH2 = _EPT // _CH


@jax.jit
def _sc_scatter(m, dst, zeros_n):
    @functools.partial(
        pl.kernel,
        out_type=jax.ShapeDtypeStruct((_NP, 128), jnp.float32),
        mesh=_sc_mesh(),
        scratch_types=[
            pltpu.VMEM((2, _CH), jnp.int32),
            pltpu.VMEM((2, _CH), jnp.int32),
            pltpu.VMEM((2, _CH, 128), jnp.float32),
            pltpu.VMEM((_RSH, 128), jnp.float32),
            pltpu.VMEM_SHARED((_ACC, 128), jnp.float32),
            pltpu.SemaphoreType.DMA,
            pltpu.SemaphoreType.DMA,
            pltpu.SemaphoreType.DMA,
            pltpu.SemaphoreType.DMA,
        ],
    )
    def k(m_hbm, dst_hbm, zero_hbm, out_hbm, idx_v, idx2_v, rows_v, shard_v,
          acc_sh, si0, si1, sr0, sr1):
        c = lax.axis_index("c")
        s = lax.axis_index("s")
        base = s * _EPT
        sh0 = s * _RSH
        lo = c * _HALF
        sidx = (si0, si1)
        srow = (sr0, sr1)

        pltpu.sync_copy(zero_hbm.at[pl.ds(sh0, _RSH)], shard_v)
        pltpu.sync_copy(shard_v, acc_sh.at[pl.ds(sh0, _RSH)])
        plsc.subcore_barrier()

        for b in (0, 1):
            pltpu.async_copy(dst_hbm.at[pl.ds(base + b * _CH, _CH)],
                             idx_v.at[b], sidx[b])
            pltpu.async_copy(m_hbm.at[pl.ds(base + b * _CH, _CH)],
                             rows_v.at[b], srow[b])

        def outer(t, carry):
            for b in (0, 1):
                ci = 2 * t + b
                off = base + ci * _CH
                pltpu.make_async_copy(dst_hbm.at[pl.ds(off, _CH)],
                                      idx_v.at[b], sidx[b]).wait()
                pltpu.make_async_copy(m_hbm.at[pl.ds(off, _CH)],
                                      rows_v.at[b], srow[b]).wait()
                for j in range(_CH // 16):
                    v = idx_v[b, pl.ds(j * 16, 16)] - lo
                    ok = (v >= 0) & (v < _HALF)
                    idx2_v[b, pl.ds(j * 16, 16)] = jnp.where(ok, v, _HALF)
                pltpu.sync_copy(rows_v.at[b], acc_sh.at[idx2_v.at[b]], add=True)

                @pl.when(ci + 2 < _NCH2)
                def _():
                    pltpu.async_copy(dst_hbm.at[pl.ds(off + 2 * _CH, _CH)],
                                     idx_v.at[b], sidx[b])
                    pltpu.async_copy(m_hbm.at[pl.ds(off + 2 * _CH, _CH)],
                                     rows_v.at[b], srow[b])
            return carry

        lax.fori_loop(0, _NCH2 // 2, outer, 0)
        plsc.subcore_barrier()

        pltpu.sync_copy(acc_sh.at[pl.ds(sh0, _RSH)], shard_v)
        pltpu.sync_copy(shard_v, out_hbm.at[pl.ds(lo + sh0, _RSH)])

    return k(m, dst, zeros_n)


def _scatter_dispatch(m, dst, zeros_n):
    return _sc_scatter(m, dst, zeros_n)



_TE = 2000


_PH = jax.lax.Precision.HIGHEST


def _edge_body(attr_ref, xj_ref, f1_ref, f2_ref, f3_ref, f4_ref, w_ref,
               r_ref, s_ref, m_ref):
    attr = attr_ref[...]
    t1 = jnp.maximum(jnp.dot(attr, f1_ref[...], precision=_PH), 0.0)
    t2 = (jnp.tanh(jnp.dot(attr, f2_ref[...], precision=_PH))
          * jnp.tanh(jnp.dot(attr, f3_ref[...], precision=_PH)))
    tmp = jnp.concatenate([t1, t2], axis=1)
    ea = jnp.maximum(jnp.dot(tmp, f4_ref[...], precision=_PH), 0.0)
    z = jnp.dot(xj_ref[...], w_ref[...], preferred_element_type=jnp.float32,
                precision=_PH)
    ea_rep = jnp.dot(ea, r_ref[...], preferred_element_type=jnp.float32,
                     precision=_PH)
    acc = jnp.dot(z * ea_rep, s_ref[...], preferred_element_type=jnp.float32,
                  precision=_PH)
    mpad = jnp.zeros((acc.shape[0], 128 - _NOUT1), jnp.float32)
    m_ref[...] = jnp.concatenate([acc, mpad], axis=1)


@functools.partial(jax.jit, static_argnames=("ninp",))
def _edge_messages(edge_attr, xj, f1, f2, f3, f4, w_all, rep_mat, sum_mat, ninp):
    grid = _E // _TE
    return pl.pallas_call(
        _edge_body,
        grid=(grid,),
        in_specs=[
            pl.BlockSpec((_TE, _NE), lambda i: (i, 0)),
            pl.BlockSpec((_TE, ninp), lambda i: (i, 0)),
            pl.BlockSpec((_NE, 2 * _NE), lambda i: (0, 0)),
            pl.BlockSpec((_NE, 2 * _NE), lambda i: (0, 0)),
            pl.BlockSpec((_NE, 2 * _NE), lambda i: (0, 0)),
            pl.BlockSpec((4 * _NE, _NE), lambda i: (0, 0)),
            pl.BlockSpec((ninp, _NE * _NOUT1), lambda i: (0, 0)),
            pl.BlockSpec((_NE, _NE * _NOUT1), lambda i: (0, 0)),
            pl.BlockSpec((_NE * _NOUT1, _NOUT1), lambda i: (0, 0)),
        ],
        out_specs=pl.BlockSpec((_TE, 128), lambda i: (i, 0)),
        out_shape=jax.ShapeDtypeStruct((_E, 128), jnp.float32),
    )(edge_attr, xj, f1, f2, f3, f4, w_all, rep_mat, sum_mat)



_TN = 2000


def _node_body(agg2_ref, x_ref, cb_ref, f11_ref, b11_ref, f12_ref, b12_ref, h_ref):
    agg = agg2_ref[:, 0:_NOUT1]
    out1 = jnp.maximum(agg + cb_ref[...], 0.0)
    xt = x_ref[...]
    a = jnp.tanh(jnp.dot(xt, f11_ref[...], preferred_element_type=jnp.float32,
                         precision=_PH) + b11_ref[...])
    b = jnp.tanh(jnp.dot(xt, f12_ref[...], preferred_element_type=jnp.float32,
                         precision=_PH) + b12_ref[...])
    pad = jnp.zeros((out1.shape[0], 128 - _NOUT1 - _NOUT2), jnp.float32)
    h_ref[...] = jnp.concatenate([out1, a * b, pad], axis=1)


@functools.partial(jax.jit, static_argnames=("ninp",))
def _node_update(agg2, x, cb, f11, b11, f12, b12, ninp):
    grid = _N // _TN
    return pl.pallas_call(
        _node_body,
        grid=(grid,),
        in_specs=[
            pl.BlockSpec((_TN, 128), lambda i: (i, 0)),
            pl.BlockSpec((_TN, ninp), lambda i: (i, 0)),
            pl.BlockSpec((1, _NOUT1), lambda i: (0, 0)),
            pl.BlockSpec((ninp, _NOUT2), lambda i: (0, 0)),
            pl.BlockSpec((1, _NOUT2), lambda i: (0, 0)),
            pl.BlockSpec((ninp, _NOUT2), lambda i: (0, 0)),
            pl.BlockSpec((1, _NOUT2), lambda i: (0, 0)),
        ],
        out_specs=pl.BlockSpec((_TN, 128), lambda i: (i, 0)),
        out_shape=jax.ShapeDtypeStruct((_N, 128), jnp.float32),
    )(agg2, x, cb, f11, b11, f12, b12)



def _head_body(h_ref, batch_ref, w1_ref, b1_ref, w2_ref, b2_ref, out_ref,
               sums_ref, cnts_ref):
    i = pl.program_id(0)

    @pl.when(i == 0)
    def _():
        sums_ref[...] = jnp.zeros_like(sums_ref)
        cnts_ref[...] = jnp.zeros_like(cnts_ref)

    onehot_t = (lax.broadcasted_iota(jnp.int32, (_NG, _TN), 0)
                == batch_ref[0]).astype(jnp.float32)
    sums_ref[...] += jnp.dot(onehot_t, h_ref[...], preferred_element_type=jnp.float32,
                             precision=_PH)
    cnts_ref[...] += jnp.sum(onehot_t, axis=1, keepdims=True)

    @pl.when(i == pl.num_programs(0) - 1)
    def _():
        g = sums_ref[...] / jnp.maximum(cnts_ref[...], 1.0)
        a = jnp.maximum(jnp.dot(g, w1_ref[...], preferred_element_type=jnp.float32,
                                precision=_PH) + b1_ref[...], 0.0)
        out_ref[...] = jnp.dot(a, w2_ref[...], preferred_element_type=jnp.float32,
                               precision=_PH) + b2_ref[...]


@jax.jit
def _head(h, batch_row, w1, b1, w2, b2):
    grid = _N // _TN
    nin = 128
    return pl.pallas_call(
        _head_body,
        grid=(grid,),
        in_specs=[
            pl.BlockSpec((_TN, nin), lambda i: (i, 0)),
            pl.BlockSpec((1, 1, _TN), lambda i: (i, 0, 0)),
            pl.BlockSpec((nin, 10), lambda i: (0, 0)),
            pl.BlockSpec((1, 10), lambda i: (0, 0)),
            pl.BlockSpec((10, 1), lambda i: (0, 0)),
            pl.BlockSpec((1, 1), lambda i: (0, 0)),
        ],
        out_specs=pl.BlockSpec((_NG, 1), lambda i: (0, 0)),
        out_shape=jax.ShapeDtypeStruct((_NG, 1), jnp.float32),
        scratch_shapes=[
            pltpu.VMEM((_NG, 128), jnp.float32),
            pltpu.VMEM((_NG, 1), jnp.float32),
        ],
    )(h, batch_row, w1, b1, w2, b2)



def kernel(x, edge_index, edge_attr, batch, params):
    src = edge_index[0]
    dst = edge_index[1]
    zeros_n = jnp.zeros((_NP, 128), jnp.float32)
    batch_row = batch.reshape(_N // _TN, 1, _TN)

    ii = jnp.arange(_NE * _NOUT1, dtype=jnp.int32)
    rep_mat = (ii[None, :] // _NOUT1 == jnp.arange(_NE, dtype=jnp.int32)[:, None]
               ).astype(jnp.float32)
    sum_mat = (ii[:, None] % _NOUT1 == jnp.arange(_NOUT1, dtype=jnp.int32)[None, :]
               ).astype(jnp.float32)

    def pad_rows(w):
        return jnp.pad(w, ((0, 128 - w.shape[0]), (0, 0)))

    h = x
    for lp in (params['l1'], params['l2'], params['l3']):
        ninp = lp['conv_w'].shape[1]
        w_all = pad_rows(jnp.transpose(lp['conv_w'], (1, 0, 2)).reshape(ninp, _NE * _NOUT1))
        xj = _sc_gather(h, src, 128)
        m = _edge_messages(edge_attr, xj, lp['fc1_1'], lp['fc1_2'], lp['fc1_3'],
                           lp['fc1_4'], w_all, rep_mat, sum_mat, 128)
        agg2 = _scatter_dispatch(m, dst, zeros_n)
        h = _node_update(agg2, h, lp['conv_b'].reshape(1, _NOUT1),
                         pad_rows(lp['fc11_w']), lp['fc11_b'].reshape(1, _NOUT2),
                         pad_rows(lp['fc12_w']), lp['fc12_b'].reshape(1, _NOUT2), 128)

    return _head(h, batch_row, pad_rows(params['fc1_w']), params['fc1_b'].reshape(1, 10),
                 params['fc2_w'], params['fc2_b'].reshape(1, 1))

# --- scband reference (transcript-rebuilt; emitter-appended) ---
"""Pipeline reference for scband-gnnml3-2181843387147 (READ-ONLY COPY).

The authoritative reference and input builder live on the scoring server;
editing this copy changes nothing except your own understanding.
"""

import jax, jax.numpy as jnp
import numpy as np

N = 10000
E = 320000
NE = 16
NINP = 128
NOUT1 = 32
NOUT2 = 16
NIN = NOUT1 + NOUT2
NG = 32


def _layer_params(key, ninp):
    ks = jax.random.split(key, 7)
    s = 0.1
    return {
        'fc1_1': jax.random.normal(ks[0], (NE, 2 * NE), jnp.float32) * s,
        'fc1_2': jax.random.normal(ks[1], (NE, 2 * NE), jnp.float32) * s,
        'fc1_3': jax.random.normal(ks[2], (NE, 2 * NE), jnp.float32) * s,
        'fc1_4': jax.random.normal(ks[3], (4 * NE, NE), jnp.float32) * s,
        'conv_w': jax.random.normal(ks[4], (NE, ninp, NOUT1), jnp.float32) * s,
        'conv_b': jnp.zeros((NOUT1,), jnp.float32),
        'fc11_w': jax.random.normal(ks[5], (ninp, NOUT2), jnp.float32) * s,
        'fc11_b': jnp.zeros((NOUT2,), jnp.float32),
        'fc12_w': jax.random.normal(ks[6], (ninp, NOUT2), jnp.float32) * s,
        'fc12_b': jnp.zeros((NOUT2,), jnp.float32),
    }


def setup_inputs(seed: int = 0):
    key = jax.random.key(seed)
    k = jax.random.split(key, 9)
    x = jax.random.normal(k[0], (N, NINP), jnp.float32)
    edge_index = jax.random.randint(k[1], (2, E), 0, N, dtype=jnp.int32)
    edge_attr = jax.random.normal(k[2], (E, NE), jnp.float32)
    batch = jnp.sort(jax.random.randint(k[3], (N,), 0, NG, dtype=jnp.int32))
    params = {
        'l1': _layer_params(k[4], NINP),
        'l2': _layer_params(k[5], NIN),
        'l3': _layer_params(k[6], NIN),
        'fc1_w': jax.random.normal(k[7], (NIN, 10), jnp.float32) * 0.1,
        'fc1_b': jnp.zeros((10,), jnp.float32),
        'fc2_w': jax.random.normal(k[8], (10, 1), jnp.float32) * 0.1,
        'fc2_b': jnp.zeros((1,), jnp.float32),
    }
    return {'x': x, 'edge_index': edge_index, 'edge_attr': edge_attr, 'batch': batch, 'params': params}


def _ml3_layer(x, edge_index, edge_attr, p):
    # learned edge features (learnedge=True)
    tmp = jnp.concatenate([
        jax.nn.relu(edge_attr @ p['fc1_1']),
        jnp.tanh(edge_attr @ p['fc1_2']) * jnp.tanh(edge_attr @ p['fc1_3']),
    ], axis=1)
    ea = jax.nn.relu(tmp @ p['fc1_4'])  # [E, NE]
    # SpectConv (selfconn=False): per edge-channel SpMM then per-channel dense mix
    src = edge_index[0]
    dst = edge_index[1]
    xj = x[src]  # gather [E, ninp]
    out = jnp.zeros((x.shape[0], NOUT1), jnp.float32)
    for i in range(NE):
        h = jax.ops.segment_sum(ea[:, i:i + 1] * xj, dst, num_segments=x.shape[0])
        out = out + h @ p['conv_w'][i]
    out = out + p['conv_b']
    return jnp.concatenate([
        jax.nn.relu(out),
        jnp.tanh(x @ p['fc11_w'] + p['fc11_b']) * jnp.tanh(x @ p['fc12_w'] + p['fc12_b']),
    ], axis=1)


def _forward(x, edge_attr, params, edge_index, batch):
    h = _ml3_layer(x, edge_index, edge_attr, params['l1'])
    h = _ml3_layer(h, edge_index, edge_attr, params['l2'])
    h = _ml3_layer(h, edge_index, edge_attr, params['l3'])
    s = jax.ops.segment_sum(h, batch, num_segments=NG)
    cnt = jax.ops.segment_sum(jnp.ones((x.shape[0], 1), jnp.float32), batch, num_segments=NG)
    g = s / jnp.maximum(cnt, 1.0)  # global_mean_pool
    g = jax.nn.relu(g @ params['fc1_w'] + params['fc1_b'])
    return g @ params['fc2_w'] + params['fc2_b']


def reference(x, edge_index, edge_attr, batch, params):
    return _forward(x, edge_attr, params, edge_index, batch)

if __name__ == "__main__":
    import jax
    _d = setup_inputs()
    print(jax.jit(kernel)(*tuple(_d.values())))

</pallas_src>

<mosaic_0001>
#map = affine_map<(d0, d1) -> (0, 0)>
#map1 = affine_map<(d0, d1) -> (0)>
module attributes {stable_mosaic.version = 14 : i64} {
  func.func @k(%arg0: i32, %arg1: i32, %arg2: memref<10000x128xf32, #tpu.memory_space<hbm>>, %arg3: memref<320000xi32, #tpu.memory_space<hbm>>, %arg4: memref<320000x128xf32, #tpu.memory_space<hbm>>, %arg5: memref<2x80xi32, #tpu.memory_space<vmem>>, %arg6: memref<2x80x128xf32, #tpu.memory_space<vmem>>, %arg7: memref<!tpu.dma_semaphore, #tpu.memory_space<semaphore_mem>>, %arg8: memref<!tpu.dma_semaphore, #tpu.memory_space<semaphore_mem>>, %arg9: memref<!tpu.dma_semaphore, #tpu.memory_space<semaphore_mem>>, %arg10: memref<!tpu.dma_semaphore, #tpu.memory_space<semaphore_mem>>, %arg11: memref<!tpu.dma_semaphore, #tpu.memory_space<semaphore_mem>>) attributes {dimension_semantics = [#tpu.dimension_semantics<core_parallel>, #tpu.dimension_semantics<subcore_parallel>], iteration_bounds = array<i64: 2, 16>, scalar_prefetch = 0 : i64, scratch_operands = 7 : i64, tpu.core_type = #tpu.core_type<sc_vector_subcore>, window_params = [{transform_indices = #map}, {transform_indices = #map1}, {transform_indices = #map}]} {
    %mul3A = arith.constant 2 : i32
    %mul3A_0 = arith.muli %arg1, %mul3A : i32
    %add3A = arith.addi %mul3A_0, %arg0 : i32
    %mul3A_1 = arith.constant 10000 : i32
    %mul3A_2 = arith.muli %add3A, %mul3A_1 : i32
    %add3A_3 = arith.constant 0 : i32
    %add3A_4 = arith.addi %mul3A_2, %add3A_3 : i32
    %dma_start3A = arith.constant 0 : i32
    %dma_start3A_5 = arith.constant 0 : i32
    %dma_start3A_6 = tpu.memref_slice %arg5[%dma_start3A, %dma_start3A_5] : memref<2x80xi32, #tpu.memory_space<vmem>> -> memref<1x80xi32, #tpu.memory_space<vmem>>
    %dma_start3A_7 = tpu.memref_squeeze %dma_start3A_6 : memref<1x80xi32, #tpu.memory_space<vmem>> -> memref<80xi32, #tpu.memory_space<vmem>>
    %dma_start3A_8 = tpu.memref_slice %arg3[%add3A_4] : memref<320000xi32, #tpu.memory_space<hbm>> -> memref<80xi32, #tpu.memory_space<hbm>>
    %dma_start3A_9 = arith.constant 0 : i32
    %dma_start3A_10 = tpu.memref_slice %arg5[%dma_start3A, %dma_start3A_9] : memref<2x80xi32, #tpu.memory_space<vmem>> -> memref<1x80xi32, #tpu.memory_space<vmem>>
    %dma_start3A_11 = tpu.memref_squeeze %dma_start3A_10 : memref<1x80xi32, #tpu.memory_space<vmem>> -> memref<80xi32, #tpu.memory_space<vmem>>
    %dma_start3A_12 = tpu.memref_slice %arg3[%add3A_4] : memref<320000xi32, #tpu.memory_space<hbm>> -> memref<80xi32, #tpu.memory_space<hbm>>
    tpu.enqueue_dma source(%dma_start3A_12 : memref<80xi32, #tpu.memory_space<hbm>>) target(%dma_start3A_11 : memref<80xi32, #tpu.memory_space<vmem>>) target_semaphore(%arg7 : memref<!tpu.dma_semaphore, #tpu.memory_space<semaphore_mem>>)
    %add3A_13 = arith.constant 80 : i32
    %add3A_14 = arith.addi %mul3A_2, %add3A_13 : i32
    %dma_start3A_15 = arith.constant 1 : i32
    %dma_start3A_16 = arith.constant 0 : i32
    %dma_start3A_17 = tpu.memref_slice %arg5[%dma_start3A_15, %dma_start3A_16] : memref<2x80xi32, #tpu.memory_space<vmem>> -> memref<1x80xi32, #tpu.memory_space<vmem>>
    %dma_start3A_18 = tpu.memref_squeeze %dma_start3A_17 : memref<1x80xi32, #tpu.memory_space<vmem>> -> memref<80xi32, #tpu.memory_space<vmem>>
    %dma_start3A_19 = tpu.memref_slice %arg3[%add3A_14] : memref<320000xi32, #tpu.memory_space<hbm>> -> memref<80xi32, #tpu.memory_space<hbm>>
    %dma_start3A_20 = arith.constant 0 : i32
    %dma_start3A_21 = tpu.memref_slice %arg5[%dma_start3A_15, %dma_start3A_20] : memref<2x80xi32, #tpu.memory_space<vmem>> -> memref<1x80xi32, #tpu.memory_space<vmem>>
    %dma_start3A_22 = tpu.memref_squeeze %dma_start3A_21 : memref<1x80xi32, #tpu.memory_space<vmem>> -> memref<80xi32, #tpu.memory_space<vmem>>
    %dma_start3A_23 = tpu.memref_slice %arg3[%add3A_14] : memref<320000xi32, #tpu.memory_space<hbm>> -> memref<80xi32, #tpu.memory_space<hbm>>
    tpu.enqueue_dma source(%dma_start3A_23 : memref<80xi32, #tpu.memory_space<hbm>>) target(%dma_start3A_22 : memref<80xi32, #tpu.memory_space<vmem>>) target_semaphore(%arg8 : memref<!tpu.dma_semaphore, #tpu.memory_space<semaphore_mem>>)
    %scan3A = arith.constant 0 : i32
    %scan3A_24 = arith.constant 0 : i32
    %scan3A_25 = arith.constant 62 : i32
    %scan3A_26 = arith.addi %scan3A_24, %scan3A_25 : i32
    %scan3A_27 = arith.constant 1 : i32
    scf.for %scan3A_89 = %scan3A_24 to %scan3A_26 step %scan3A_27  : i32 {
      %mul3A_90 = arith.constant 2 : i32
      %mul3A_91 = arith.muli %mul3A_90, %scan3A_89 : i32
      %add3A_92 = arith.constant 0 : i32
      %add3A_93 = arith.addi %mul3A_91, %add3A_92 : i32
      %mul3A_94 = arith.constant 80 : i32
      %mul3A_95 = arith.muli %add3A_93, %mul3A_94 : i32
      %add3A_96 = arith.addi %mul3A_2, %mul3A_95 : i32
      %dma_wait3A_97 = arith.constant 0 : i32
      %dma_wait3A_98 = arith.constant 0 : i32
      %dma_wait3A_99 = tpu.memref_slice %arg5[%dma_wait3A_97, %dma_wait3A_98] : memref<2x80xi32, #tpu.memory_space<vmem>> -> memref<1x80xi32, #tpu.memory_space<vmem>>
      %dma_wait3A_100 = tpu.memref_squeeze %dma_wait3A_99 : memref<1x80xi32, #tpu.memory_space<vmem>> -> memref<80xi32, #tpu.memory_space<vmem>>
      %dma_wait3A_101 = tpu.memref_slice %arg3[%add3A_96] : memref<320000xi32, #tpu.memory_space<hbm>> -> memref<80xi32, #tpu.memory_space<hbm>>
      %dma_wait3A_102 = arith.constant 0 : i32
      %dma_wait3A_103 = tpu.memref_slice %arg5[%dma_wait3A_97, %dma_wait3A_102] : memref<2x80xi32, #tpu.memory_space<vmem>> -> memref<1x80xi32, #tpu.memory_space<vmem>>
      %dma_wait3A_104 = tpu.memref_squeeze %dma_wait3A_103 : memref<1x80xi32, #tpu.memory_space<vmem>> -> memref<80xi32, #tpu.memory_space<vmem>>
      %dma_wait3A_105 = tpu.memref_slice %arg3[%add3A_96] : memref<320000xi32, #tpu.memory_space<hbm>> -> memref<80xi32, #tpu.memory_space<hbm>>
      tpu.wait_dma2 semaphore(%arg7 : memref<!tpu.dma_semaphore, #tpu.memory_space<semaphore_mem>>) src(%dma_wait3A_105 : memref<80xi32, #tpu.memory_space<hbm>>) dst(%dma_wait3A_104 : memref<80xi32, #tpu.memory_space<vmem>>)
      %gt3A = arith.constant 0 : i32
      %gt3A_106 = arith.cmpi sgt, %scan3A_89, %gt3A : i32
      %convert_element_type3A = arith.extui %gt3A_106 : i1 to i32
      %cond3A = arith.constant 0 : i32
      %cond3A_107 = arith.cmpi ne, %convert_element_type3A, %cond3A : i32
      scf.if %cond3A_107 {
        %dma_wait3A_216 = arith.constant 0 : i32
        %dma_wait3A_217 = arith.constant 0 : i32
        %dma_wait3A_218 = arith.constant 0 : i32
        %dma_wait3A_219 = tpu.memref_slice %arg6[%dma_wait3A_216, %dma_wait3A_217, %dma_wait3A_218] : memref<2x80x128xf32, #tpu.memory_space<vmem>> -> memref<1x80x128xf32, #tpu.memory_space<vmem>>
        %dma_wait3A_220 = tpu.memref_squeeze %dma_wait3A_219 : memref<1x80x128xf32, #tpu.memory_space<vmem>> -> memref<80x128xf32, #tpu.memory_space<vmem>>
        %dma_wait3A_221 = arith.constant 0 : i32
        %dma_wait3A_222 = tpu.memref_slice %arg4[%add3A_96, %dma_wait3A_221] : memref<320000x128xf32, #tpu.memory_space<hbm>> -> memref<80x128xf32, #tpu.memory_space<hbm>>
        %dma_wait3A_223 = arith.constant 0 : i32
        %dma_wait3A_224 = tpu.memref_slice %arg4[%add3A_96, %dma_wait3A_223] : memref<320000x128xf32, #tpu.memory_space<hbm>> -> memref<80x128xf32, #tpu.memory_space<hbm>>
        %dma_wait3A_225 = arith.constant 0 : i32
        %dma_wait3A_226 = arith.constant 0 : i32
        %dma_wait3A_227 = tpu.memref_slice %arg6[%dma_wait3A_216, %dma_wait3A_225, %dma_wait3A_226] : memref<2x80x128xf32, #tpu.memory_space<vmem>> -> memref<1x80x128xf32, #tpu.memory_space<vmem>>
        %dma_wait3A_228 = tpu.memref_squeeze %dma_wait3A_227 : memref<1x80x128xf32, #tpu.memory_space<vmem>> -> memref<80x128xf32, #tpu.memory_space<vmem>>
        tpu.wait_dma2 semaphore(%arg10 : memref<!tpu.dma_semaphore, #tpu.memory_space<semaphore_mem>>) src(%dma_wait3A_228 : memref<80x128xf32, #tpu.memory_space<vmem>>) dst(%dma_wait3A_224 : memref<80x128xf32, #tpu.memory_space<hbm>>)
      } else {
      }
      %dma_start3A_108 = arith.constant 0 : i32
      %dma_start3A_109 = arith.constant 0 : i32
      %dma_start3A_110 = arith.constant 0 : i32
      %dma_start3A_111 = arith.constant 0 : i32
      %dma_start3A_112 = tpu.memref_slice %arg6[%dma_start3A_109, %dma_start3A_110, %dma_start3A_111] : memref<2x80x128xf32, #tpu.memory_space<vmem>> -> memref<1x80x128xf32, #tpu.memory_space<vmem>>
      %dma_start3A_113 = tpu.memref_squeeze %dma_start3A_112 : memref<1x80x128xf32, #tpu.memory_space<vmem>> -> memref<80x128xf32, #tpu.memory_space<vmem>>
      %dma_start3A_114 = arith.constant 0 : i32
      %dma_start3A_115 = tpu.memref_slice %arg5[%dma_start3A_108, %dma_start3A_114] : memref<2x80xi32, #tpu.memory_space<vmem>> -> memref<1x80xi32, #tpu.memory_space<vmem>>
      %dma_start3A_116 = tpu.memref_squeeze %dma_start3A_115 : memref<1x80xi32, #tpu.memory_space<vmem>> -> memref<80xi32, #tpu.memory_space<vmem>>
      %dma_start3A_117 = arith.constant 0 : i32
      %dma_start3A_118 = arith.constant 0 : i32
      %dma_start3A_119 = tpu.memref_slice %arg2[%dma_start3A_117, %dma_start3A_118] : memref<10000x128xf32, #tpu.memory_space<hbm>> -> memref<10000x128xf32, #tpu.memory_space<hbm>>
      tpu.enqueue_indirect_dma source(%dma_start3A_119 : memref<10000x128xf32, #tpu.memory_space<hbm>>) target(%dma_start3A_113 : memref<80x128xf32, #tpu.memory_space<vmem>>) offsets(%dma_start3A_116 : memref<80xi32, #tpu.memory_space<vmem>>) semaphore(%arg9 : memref<!tpu.dma_semaphore, #tpu.memory_space<semaphore_mem>>)
      %dma_wait3A_120 = arith.constant 0 : i32
      %dma_wait3A_121 = arith.constant 0 : i32
      %dma_wait3A_122 = arith.constant 0 : i32
      %dma_wait3A_123 = arith.constant 0 : i32
      %dma_wait3A_124 = tpu.memref_slice %arg6[%dma_wait3A_121, %dma_wait3A_122, %dma_wait3A_123] : memref<2x80x128xf32, #tpu.memory_space<vmem>> -> memref<1x80x128xf32, #tpu.memory_space<vmem>>
      %dma_wait3A_125 = tpu.memref_squeeze %dma_wait3A_124 : memref<1x80x128xf32, #tpu.memory_space<vmem>> -> memref<80x128xf32, #tpu.memory_space<vmem>>
      %dma_wait3A_126 = arith.constant 0 : i32
      %dma_wait3A_127 = tpu.memref_slice %arg5[%dma_wait3A_120, %dma_wait3A_126] : memref<2x80xi32, #tpu.memory_space<vmem>> -> memref<1x80xi32, #tpu.memory_space<vmem>>
      %dma_wait3A_128 = tpu.memref_squeeze %dma_wait3A_127 : memref<1x80xi32, #tpu.memory_space<vmem>> -> memref<80xi32, #tpu.memory_space<vmem>>
      %dma_wait3A_129 = arith.constant 0 : i32
      %dma_wait3A_130 = arith.constant 0 : i32
      %dma_wait3A_131 = tpu.memref_slice %arg2[%dma_wait3A_129, %dma_wait3A_130] : memref<10000x128xf32, #tpu.memory_space<hbm>> -> memref<10000x128xf32, #tpu.memory_space<hbm>>
      tpu.wait_indirect_dma semaphore(%arg9 : memref<!tpu.dma_semaphore, #tpu.memory_space<semaphore_mem>>) src(%dma_wait3A_131 : memref<10000x128xf32, #tpu.memory_space<hbm>>) dst(%dma_wait3A_125 : memref<80x128xf32, #tpu.memory_space<vmem>>)
      %dma_start3A_132 = arith.constant 0 : i32
      %dma_start3A_133 = arith.constant 0 : i32
      %dma_start3A_134 = arith.constant 0 : i32
      %dma_start3A_135 = tpu.memref_slice %arg6[%dma_start3A_132, %dma_start3A_133, %dma_start3A_134] : memref<2x80x128xf32, #tpu.memory_space<vmem>> -> memref<1x80x128xf32, #tpu.memory_space<vmem>>
      %dma_start3A_136 = tpu.memref_squeeze %dma_start3A_135 : memref<1x80x128xf32, #tpu.memory_space<vmem>> -> memref<80x128xf32, #tpu.memory_space<vmem>>
      %dma_start3A_137 = arith.constant 0 : i32
      %dma_start3A_138 = tpu.memref_slice %arg4[%add3A_96, %dma_start3A_137] : memref<320000x128xf32, #tpu.memory_space<hbm>> -> memref<80x128xf32, #tpu.memory_space<hbm>>
      %dma_start3A_139 = arith.constant 0 : i32
      %dma_start3A_140 = tpu.memref_slice %arg4[%add3A_96, %dma_start3A_139] : memref<320000x128xf32, #tpu.memory_space<hbm>> -> memref<80x128xf32, #tpu.memory_space<hbm>>
      %dma_start3A_141 = arith.constant 0 : i32
      %dma_start3A_142 = arith.constant 0 : i32
      %dma_start3A_143 = tpu.memref_slice %arg6[%dma_start3A_132, %dma_start3A_141, %dma_start3A_142] : memref<2x80x128xf32, #tpu.memory_space<vmem>> -> memref<1x80x128xf32, #tpu.memory_space<vmem>>
      %dma_start3A_144 = tpu.memref_squeeze %dma_start3A_143 : memref<1x80x128xf32, #tpu.memory_space<vmem>> -> memref<80x128xf32, #tpu.memory_space<vmem>>
      tpu.enqueue_dma source(%dma_start3A_144 : memref<80x128xf32, #tpu.memory_space<vmem>>) target(%dma_start3A_140 : memref<80x128xf32, #tpu.memory_space<hbm>>) target_semaphore(%arg10 : memref<!tpu.dma_semaphore, #tpu.memory_space<semaphore_mem>>)
      %add3A_145 = arith.constant 2 : i32
      %add3A_146 = arith.addi %add3A_93, %add3A_145 : i32
      %lt3A = arith.constant 125 : i32
      %lt3A_147 = arith.cmpi slt, %add3A_146, %lt3A : i32
      %convert_element_type3A_148 = arith.extui %lt3A_147 : i1 to i32
      %cond3A_149 = arith.constant 0 : i32
      %cond3A_150 = arith.cmpi ne, %convert_element_type3A_148, %cond3A_149 : i32
      scf.if %cond3A_150 {
        %add3A_216 = arith.constant 160 : i32
        %add3A_217 = arith.addi %add3A_96, %add3A_216 : i32
        %dma_start3A_218 = arith.constant 0 : i32
        %dma_start3A_219 = arith.constant 0 : i32
        %dma_start3A_220 = tpu.memref_slice %arg5[%dma_start3A_218, %dma_start3A_219] : memref<2x80xi32, #tpu.memory_space<vmem>> -> memref<1x80xi32, #tpu.memory_space<vmem>>
        %dma_start3A_221 = tpu.memref_squeeze %dma_start3A_220 : memref<1x80xi32, #tpu.memory_space<vmem>> -> memref<80xi32, #tpu.memory_space<vmem>>
        %dma_start3A_222 = tpu.memref_slice %arg3[%add3A_217] : memref<320000xi32, #tpu.memory_space<hbm>> -> memref<80xi32, #tpu.memory_space<hbm>>
        %dma_start3A_223 = arith.constant 0 : i32
        %dma_start3A_224 = tpu.memref_slice %arg5[%dma_start3A_218, %dma_start3A_223] : memref<2x80xi32, #tpu.memory_space<vmem>> -> memref<1x80xi32, #tpu.memory_space<vmem>>
        %dma_start3A_225 = tpu.memref_squeeze %dma_start3A_224 : memref<1x80xi32, #tpu.memory_space<vmem>> -> memref<80xi32, #tpu.memory_space<vmem>>
        %dma_start3A_226 = tpu.memref_slice %arg3[%add3A_217] : memref<320000xi32, #tpu.memory_space<hbm>> -> memref<80xi32, #tpu.memory_space<hbm>>
        tpu.enqueue_dma source(%dma_start3A_226 : memref<80xi32, #tpu.memory_space<hbm>>) target(%dma_start3A_225 : memref<80xi32, #tpu.memory_space<vmem>>) target_semaphore(%arg7 : memref<!tpu.dma_semaphore, #tpu.memory_space<semaphore_mem>>)
      } else {
      }
      %mul3A_151 = arith.constant 2 : i32
      %mul3A_152 = arith.muli %mul3A_151, %scan3A_89 : i32
      %add3A_153 = arith.constant 1 : i32
      %add3A_154 = arith.addi %mul3A_152, %add3A_153 : i32
      %mul3A_155 = arith.constant 80 : i32
      %mul3A_156 = arith.muli %add3A_154, %mul3A_155 : i32
      %add3A_157 = arith.addi %mul3A_2, %mul3A_156 : i32
      %dma_wait3A_158 = arith.constant 1 : i32
      %dma_wait3A_159 = arith.constant 0 : i32
      %dma_wait3A_160 = tpu.memref_slice %arg5[%dma_wait3A_158, %dma_wait3A_159] : memref<2x80xi32, #tpu.memory_space<vmem>> -> memref<1x80xi32, #tpu.memory_space<vmem>>
      %dma_wait3A_161 = tpu.memref_squeeze %dma_wait3A_160 : memref<1x80xi32, #tpu.memory_space<vmem>> -> memref<80xi32, #tpu.memory_space<vmem>>
      %dma_wait3A_162 = tpu.memref_slice %arg3[%add3A_157] : memref<320000xi32, #tpu.memory_space<hbm>> -> memref<80xi32, #tpu.memory_space<hbm>>
      %dma_wait3A_163 = arith.constant 0 : i32
      %dma_wait3A_164 = tpu.memref_slice %arg5[%dma_wait3A_158, %dma_wait3A_163] : memref<2x80xi32, #tpu.memory_space<vmem>> -> memref<1x80xi32, #tpu.memory_space<vmem>>
      %dma_wait3A_165 = tpu.memref_squeeze %dma_wait3A_164 : memref<1x80xi32, #tpu.memory_space<vmem>> -> memref<80xi32, #tpu.memory_space<vmem>>
      %dma_wait3A_166 = tpu.memref_slice %arg3[%add3A_157] : memref<320000xi32, #tpu.memory_space<hbm>> -> memref<80xi32, #tpu.memory_space<hbm>>
      tpu.wait_dma2 semaphore(%arg8 : memref<!tpu.dma_semaphore, #tpu.memory_space<semaphore_mem>>) src(%dma_wait3A_166 : memref<80xi32, #tpu.memory_space<hbm>>) dst(%dma_wait3A_165 : memref<80xi32, #tpu.memory_space<vmem>>)
      %gt3A_167 = arith.constant 0 : i32
      %gt3A_168 = arith.cmpi sgt, %scan3A_89, %gt3A_167 : i32
      %convert_element_type3A_169 = arith.extui %gt3A_168 : i1 to i32
      %cond3A_170 = arith.constant 0 : i32
      %cond3A_171 = arith.cmpi ne, %convert_element_type3A_169, %cond3A_170 : i32
      scf.if %cond3A_171 {
        %dma_wait3A_216 = arith.constant 1 : i32
        %dma_wait3A_217 = arith.constant 0 : i32
        %dma_wait3A_218 = arith.constant 0 : i32
        %dma_wait3A_219 = tpu.memref_slice %arg6[%dma_wait3A_216, %dma_wait3A_217, %dma_wait3A_218] : memref<2x80x128xf32, #tpu.memory_space<vmem>> -> memref<1x80x128xf32, #tpu.memory_space<vmem>>
        %dma_wait3A_220 = tpu.memref_squeeze %dma_wait3A_219 : memref<1x80x128xf32, #tpu.memory_space<vmem>> -> memref<80x128xf32, #tpu.memory_space<vmem>>
        %dma_wait3A_221 = arith.constant 0 : i32
        %dma_wait3A_222 = tpu.memref_slice %arg4[%add3A_157, %dma_wait3A_221] : memref<320000x128xf32, #tpu.memory_space<hbm>> -> memref<80x128xf32, #tpu.memory_space<hbm>>
        %dma_wait3A_223 = arith.constant 0 : i32
        %dma_wait3A_224 = tpu.memref_slice %arg4[%add3A_157, %dma_wait3A_223] : memref<320000x128xf32, #tpu.memory_space<hbm>> -> memref<80x128xf32, #tpu.memory_space<hbm>>
        %dma_wait3A_225 = arith.constant 0 : i32
        %dma_wait3A_226 = arith.constant 0 : i32
        %dma_wait3A_227 = tpu.memref_slice %arg6[%dma_wait3A_216, %dma_wait3A_225, %dma_wait3A_226] : memref<2x80x128xf32, #tpu.memory_space<vmem>> -> memref<1x80x128xf32, #tpu.memory_space<vmem>>
        %dma_wait3A_228 = tpu.memref_squeeze %dma_wait3A_227 : memref<1x80x128xf32, #tpu.memory_space<vmem>> -> memref<80x128xf32, #tpu.memory_space<vmem>>
        tpu.wait_dma2 semaphore(%arg11 : memref<!tpu.dma_semaphore, #tpu.memory_space<semaphore_mem>>) src(%dma_wait3A_228 : memref<80x128xf32, #tpu.memory_space<vmem>>) dst(%dma_wait3A_224 : memref<80x128xf32, #tpu.memory_space<hbm>>)
      } else {
      }
      %dma_start3A_172 = arith.constant 1 : i32
      %dma_start3A_173 = arith.constant 1 : i32
      %dma_start3A_174 = arith.constant 0 : i32
      %dma_start3A_175 = arith.constant 0 : i32
      %dma_start3A_176 = tpu.memref_slice %arg6[%dma_start3A_173, %dma_start3A_174, %dma_start3A_175] : memref<2x80x128xf32, #tpu.memory_space<vmem>> -> memref<1x80x128xf32, #tpu.memory_space<vmem>>
      %dma_start3A_177 = tpu.memref_squeeze %dma_start3A_176 : memref<1x80x128xf32, #tpu.memory_space<vmem>> -> memref<80x128xf32, #tpu.memory_space<vmem>>
      %dma_start3A_178 = arith.constant 0 : i32
      %dma_start3A_179 = tpu.memref_slice %arg5[%dma_start3A_172, %dma_start3A_178] : memref<2x80xi32, #tpu.memory_space<vmem>> -> memref<1x80xi32, #tpu.memory_space<vmem>>
      %dma_start3A_180 = tpu.memref_squeeze %dma_start3A_179 : memref<1x80xi32, #tpu.memory_space<vmem>> -> memref<80xi32, #tpu.memory_space<vmem>>
      %dma_start3A_181 = arith.constant 0 : i32
      %dma_start3A_182 = arith.constant 0 : i32
      %dma_start3A_183 = tpu.memref_slice %arg2[%dma_start3A_181, %dma_start3A_182] : memref<10000x128xf32, #tpu.memory_space<hbm>> -> memref<10000x128xf32, #tpu.memory_space<hbm>>
      tpu.enqueue_indirect_dma source(%dma_start3A_183 : memref<10000x128xf32, #tpu.memory_space<hbm>>) target(%dma_start3A_177 : memref<80x128xf32, #tpu.memory_space<vmem>>) offsets(%dma_start3A_180 : memref<80xi32, #tpu.memory_space<vmem>>) semaphore(%arg9 : memref<!tpu.dma_semaphore, #tpu.memory_space<semaphore_mem>>)
      %dma_wait3A_184 = arith.constant 1 : i32
      %dma_wait3A_185 = arith.constant 1 : i32
      %dma_wait3A_186 = arith.constant 0 : i32
      %dma_wait3A_187 = arith.constant 0 : i32
      %dma_wait3A_188 = tpu.memref_slice %arg6[%dma_wait3A_185, %dma_wait3A_186, %dma_wait3A_187] : memref<2x80x128xf32, #tpu.memory_space<vmem>> -> memref<1x80x128xf32, #tpu.memory_space<vmem>>
      %dma_wait3A_189 = tpu.memref_squeeze %dma_wait3A_188 : memref<1x80x128xf32, #tpu.memory_space<vmem>> -> memref<80x128xf32, #tpu.memory_space<vmem>>
      %dma_wait3A_190 = arith.constant 0 : i32
      %dma_wait3A_191 = tpu.memref_slice %arg5[%dma_wait3A_184, %dma_wait3A_190] : memref<2x80xi32, #tpu.memory_space<vmem>> -> memref<1x80xi32, #tpu.memory_space<vmem>>
      %dma_wait3A_192 = tpu.memref_squeeze %dma_wait3A_191 : memref<1x80xi32, #tpu.memory_space<vmem>> -> memref<80xi32, #tpu.memory_space<vmem>>
      %dma_wait3A_193 = arith.constant 0 : i32
      %dma_wait3A_194 = arith.constant 0 : i32
      %dma_wait3A_195 = tpu.memref_slice %arg2[%dma_wait3A_193, %dma_wait3A_194] : memref<10000x128xf32, #tpu.memory_space<hbm>> -> memref<10000x128xf32, #tpu.memory_space<hbm>>
      tpu.wait_indirect_dma semaphore(%arg9 : memref<!tpu.dma_semaphore, #tpu.memory_space<semaphore_mem>>) src(%dma_wait3A_195 : memref<10000x128xf32, #tpu.memory_space<hbm>>) dst(%dma_wait3A_189 : memref<80x128xf32, #tpu.memory_space<vmem>>)
      %dma_start3A_196 = arith.constant 1 : i32
      %dma_start3A_197 = arith.constant 0 : i32
      %dma_start3A_198 = arith.constant 0 : i32
      %dma_start3A_199 = tpu.memref_slice %arg6[%dma_start3A_196, %dma_start3A_197, %dma_start3A_198] : memref<2x80x128xf32, #tpu.memory_space<vmem>> -> memref<1x80x128xf32, #tpu.memory_space<vmem>>
      %dma_start3A_200 = tpu.memref_squeeze %dma_start3A_199 : memref<1x80x128xf32, #tpu.memory_space<vmem>> -> memref<80x128xf32, #tpu.memory_space<vmem>>
      %dma_start3A_201 = arith.constant 0 : i32
      %dma_start3A_202 = tpu.memref_slice %arg4[%add3A_157, %dma_start3A_201] : memref<320000x128xf32, #tpu.memory_space<hbm>> -> memref<80x128xf32, #tpu.memory_space<hbm>>
      %dma_start3A_203 = arith.constant 0 : i32
      %dma_start3A_204 = tpu.memref_slice %arg4[%add3A_157, %dma_start3A_203] : memref<320000x128xf32, #tpu.memory_space<hbm>> -> memref<80x128xf32, #tpu.memory_space<hbm>>
      %dma_start3A_205 = arith.constant 0 : i32
      %dma_start3A_206 = arith.constant 0 : i32
      %dma_start3A_207 = tpu.memref_slice %arg6[%dma_start3A_196, %dma_start3A_205, %dma_start3A_206] : memref<2x80x128xf32, #tpu.memory_space<vmem>> -> memref<1x80x128xf32, #tpu.memory_space<vmem>>
      %dma_start3A_208 = tpu.memref_squeeze %dma_start3A_207 : memref<1x80x128xf32, #tpu.memory_space<vmem>> -> memref<80x128xf32, #tpu.memory_space<vmem>>
      tpu.enqueue_dma source(%dma_start3A_208 : memref<80x128xf32, #tpu.memory_space<vmem>>) target(%dma_start3A_204 : memref<80x128xf32, #tpu.memory_space<hbm>>) target_semaphore(%arg11 : memref<!tpu.dma_semaphore, #tpu.memory_space<semaphore_mem>>)
      %add3A_209 = arith.constant 2 : i32
      %add3A_210 = arith.addi %add3A_154, %add3A_209 : i32
      %lt3A_211 = arith.constant 125 : i32
      %lt3A_212 = arith.cmpi slt, %add3A_210, %lt3A_211 : i32
      %convert_element_type3A_213 = arith.extui %lt3A_212 : i1 to i32
      %cond3A_214 = arith.constant 0 : i32
      %cond3A_215 = arith.cmpi ne, %convert_element_type3A_213, %cond3A_214 : i32
      scf.if %cond3A_215 {
        %add3A_216 = arith.constant 160 : i32
        %add3A_217 = arith.addi %add3A_157, %add3A_216 : i32
        %dma_start3A_218 = arith.constant 1 : i32
        %dma_start3A_219 = arith.constant 0 : i32
        %dma_start3A_220 = tpu.memref_slice %arg5[%dma_start3A_218, %dma_start3A_219] : memref<2x80xi32, #tpu.memory_space<vmem>> -> memref<1x80xi32, #tpu.memory_space<vmem>>
        %dma_start3A_221 = tpu.memref_squeeze %dma_start3A_220 : memref<1x80xi32, #tpu.memory_space<vmem>> -> memref<80xi32, #tpu.memory_space<vmem>>
        %dma_start3A_222 = tpu.memref_slice %arg3[%add3A_217] : memref<320000xi32, #tpu.memory_space<hbm>> -> memref<80xi32, #tpu.memory_space<hbm>>
        %dma_start3A_223 = arith.constant 0 : i32
        %dma_start3A_224 = tpu.memref_slice %arg5[%dma_start3A_218, %dma_start3A_223] : memref<2x80xi32, #tpu.memory_space<vmem>> -> memref<1x80xi32, #tpu.memory_space<vmem>>
        %dma_start3A_225 = tpu.memref_squeeze %dma_start3A_224 : memref<1x80xi32, #tpu.memory_space<vmem>> -> memref<80xi32, #tpu.memory_space<vmem>>
        %dma_start3A_226 = tpu.memref_slice %arg3[%add3A_217] : memref<320000xi32, #tpu.memory_space<hbm>> -> memref<80xi32, #tpu.memory_space<hbm>>
        tpu.enqueue_dma source(%dma_start3A_226 : memref<80xi32, #tpu.memory_space<hbm>>) target(%dma_start3A_225 : memref<80xi32, #tpu.memory_space<vmem>>) target_semaphore(%arg8 : memref<!tpu.dma_semaphore, #tpu.memory_space<semaphore_mem>>)
      } else {
      }
    }
    %scan3A_28 = arith.constant 62 : i32
    %add3A_29 = arith.constant 9920 : i32
    %add3A_30 = arith.addi %mul3A_2, %add3A_29 : i32
    %dma_wait3A = arith.constant 0 : i32
    %dma_wait3A_31 = arith.constant 0 : i32
    %dma_wait3A_32 = tpu.memref_slice %arg5[%dma_wait3A, %dma_wait3A_31] : memref<2x80xi32, #tpu.memory_space<vmem>> -> memref<1x80xi32, #tpu.memory_space<vmem>>
    %dma_wait3A_33 = tpu.memref_squeeze %dma_wait3A_32 : memref<1x80xi32, #tpu.memory_space<vmem>> -> memref<80xi32, #tpu.memory_space<vmem>>
    %dma_wait3A_34 = tpu.memref_slice %arg3[%add3A_30] : memref<320000xi32, #tpu.memory_space<hbm>> -> memref<80xi32, #tpu.memory_space<hbm>>
    %dma_wait3A_35 = arith.constant 0 : i32
    %dma_wait3A_36 = tpu.memref_slice %arg5[%dma_wait3A, %dma_wait3A_35] : memref<2x80xi32, #tpu.memory_space<vmem>> -> memref<1x80xi32, #tpu.memory_space<vmem>>
    %dma_wait3A_37 = tpu.memref_squeeze %dma_wait3A_36 : memref<1x80xi32, #tpu.memory_space<vmem>> -> memref<80xi32, #tpu.memory_space<vmem>>
    %dma_wait3A_38 = tpu.memref_slice %arg3[%add3A_30] : memref<320000xi32, #tpu.memory_space<hbm>> -> memref<80xi32, #tpu.memory_space<hbm>>
    tpu.wait_dma2 semaphore(%arg7 : memref<!tpu.dma_semaphore, #tpu.memory_space<semaphore_mem>>) src(%dma_wait3A_38 : memref<80xi32, #tpu.memory_space<hbm>>) dst(%dma_wait3A_37 : memref<80xi32, #tpu.memory_space<vmem>>)
    %dma_wait3A_39 = arith.constant 0 : i32
    %dma_wait3A_40 = arith.constant 0 : i32
    %dma_wait3A_41 = arith.constant 0 : i32
    %dma_wait3A_42 = tpu.memref_slice %arg6[%dma_wait3A_39, %dma_wait3A_40, %dma_wait3A_41] : memref<2x80x128xf32, #tpu.memory_space<vmem>> -> memref<1x80x128xf32, #tpu.memory_space<vmem>>
    %dma_wait3A_43 = tpu.memref_squeeze %dma_wait3A_42 : memref<1x80x128xf32, #tpu.memory_space<vmem>> -> memref<80x128xf32, #tpu.memory_space<vmem>>
    %dma_wait3A_44 = arith.constant 0 : i32
    %dma_wait3A_45 = tpu.memref_slice %arg4[%add3A_30, %dma_wait3A_44] : memref<320000x128xf32, #tpu.memory_space<hbm>> -> memref<80x128xf32, #tpu.memory_space<hbm>>
    %dma_wait3A_46 = arith.constant 0 : i32
    %dma_wait3A_47 = tpu.memref_slice %arg4[%add3A_30, %dma_wait3A_46] : memref<320000x128xf32, #tpu.memory_space<hbm>> -> memref<80x128xf32, #tpu.memory_space<hbm>>
    %dma_wait3A_48 = arith.constant 0 : i32
    %dma_wait3A_49 = arith.constant 0 : i32
    %dma_wait3A_50 = tpu.memref_slice %arg6[%dma_wait3A_39, %dma_wait3A_48, %dma_wait3A_49] : memref<2x80x128xf32, #tpu.memory_space<vmem>> -> memref<1x80x128xf32, #tpu.memory_space<vmem>>
    %dma_wait3A_51 = tpu.memref_squeeze %dma_wait3A_50 : memref<1x80x128xf32, #tpu.memory_space<vmem>> -> memref<80x128xf32, #tpu.memory_space<vmem>>
    tpu.wait_dma2 semaphore(%arg10 : memref<!tpu.dma_semaphore, #tpu.memory_space<semaphore_mem>>) src(%dma_wait3A_51 : memref<80x128xf32, #tpu.memory_space<vmem>>) dst(%dma_wait3A_47 : memref<80x128xf32, #tpu.memory_space<hbm>>)
    %dma_start3A_52 = arith.constant 0 : i32
    %dma_start3A_53 = arith.constant 0 : i32
    %dma_start3A_54 = arith.constant 0 : i32
    %dma_start3A_55 = arith.constant 0 : i32
    %dma_start3A_56 = tpu.memref_slice %arg6[%dma_start3A_53, %dma_start3A_54, %dma_start3A_55] : memref<2x80x128xf32, #tpu.memory_space<vmem>> -> memref<1x80x128xf32, #tpu.memory_space<vmem>>
    %dma_start3A_57 = tpu.memref_squeeze %dma_start3A_56 : memref<1x80x128xf32, #tpu.memory_space<vmem>> -> memref<80x128xf32, #tpu.memory_space<vmem>>
    %dma_start3A_58 = arith.constant 0 : i32
    %dma_start3A_59 = tpu.memref_slice %arg5[%dma_start3A_52, %dma_start3A_58] : memref<2x80xi32, #tpu.memory_space<vmem>> -> memref<1x80xi32, #tpu.memory_space<vmem>>
    %dma_start3A_60 = tpu.memref_squeeze %dma_start3A_59 : memref<1x80xi32, #tpu.memory_space<vmem>> -> memref<80xi32, #tpu.memory_space<vmem>>
    %dma_start3A_61 = arith.constant 0 : i32
    %dma_start3A_62 = arith.constant 0 : i32
    %dma_start3A_63 = tpu.memref_slice %arg2[%dma_start3A_61, %dma_start3A_62] : memref<10000x128xf32, #tpu.memory_space<hbm>> -> memref<10000x128xf32, #tpu.memory_space<hbm>>
    tpu.enqueue_indirect_dma source(%dma_start3A_63 : memref<10000x128xf32, #tpu.memory_space<hbm>>) target(%dma_start3A_57 : memref<80x128xf32, #tpu.memory_space<vmem>>) offsets(%dma_start3A_60 : memref<80xi32, #tpu.memory_space<vmem>>) semaphore(%arg9 : memref<!tpu.dma_semaphore, #tpu.memory_space<semaphore_mem>>)
    %dma_wait3A_64 = arith.constant 0 : i32
    %dma_wait3A_65 = arith.constant 0 : i32
    %dma_wait3A_66 = arith.constant 0 : i32
    %dma_wait3A_67 = arith.constant 0 : i32
    %dma_wait3A_68 = tpu.memref_slice %arg6[%dma_wait3A_65, %dma_wait3A_66, %dma_wait3A_67] : memref<2x80x128xf32, #tpu.memory_space<vmem>> -> memref<1x80x128xf32, #tpu.memory_space<vmem>>
    %dma_wait3A_69 = tpu.memref_squeeze %dma_wait3A_68 : memref<1x80x128xf32, #tpu.memory_space<vmem>> -> memref<80x128xf32, #tpu.memory_space<vmem>>
    %dma_wait3A_70 = arith.constant 0 : i32
    %dma_wait3A_71 = tpu.memref_slice %arg5[%dma_wait3A_64, %dma_wait3A_70] : memref<2x80xi32, #tpu.memory_space<vmem>> -> memref<1x80xi32, #tpu.memory_space<vmem>>
    %dma_wait3A_72 = tpu.memref_squeeze %dma_wait3A_71 : memref<1x80xi32, #tpu.memory_space<vmem>> -> memref<80xi32, #tpu.memory_space<vmem>>
    %dma_wait3A_73 = arith.constant 0 : i32
    %dma_wait3A_74 = arith.constant 0 : i32
    %dma_wait3A_75 = tpu.memref_slice %arg2[%dma_wait3A_73, %dma_wait3A_74] : memref<10000x128xf32, #tpu.memory_space<hbm>> -> memref<10000x128xf32, #tpu.memory_space<hbm>>
    tpu.wait_indirect_dma semaphore(%arg9 : memref<!tpu.dma_semaphore, #tpu.memory_space<semaphore_mem>>) src(%dma_wait3A_75 : memref<10000x128xf32, #tpu.memory_space<hbm>>) dst(%dma_wait3A_69 : memref<80x128xf32, #tpu.memory_space<vmem>>)
    %run_scoped3A = arith.constant 0 : i32
    "tpu.region"() ({
      %run_scoped3A_89 = tpu.sem_alloc : memref<!tpu.dma_semaphore, #tpu.memory_space<semaphore_mem>>
      %dma_start3A_90 = arith.constant 0 : i32
      %dma_start3A_91 = arith.constant 0 : i32
      %dma_start3A_92 = tpu.memref_slice %arg6[%run_scoped3A, %dma_start3A_90, %dma_start3A_91] : memref<2x80x128xf32, #tpu.memory_space<vmem>> -> memref<1x80x128xf32, #tpu.memory_space<vmem>>
      %dma_start3A_93 = tpu.memref_squeeze %dma_start3A_92 : memref<1x80x128xf32, #tpu.memory_space<vmem>> -> memref<80x128xf32, #tpu.memory_space<vmem>>
      %dma_start3A_94 = arith.constant 0 : i32
      %dma_start3A_95 = tpu.memref_slice %arg4[%add3A_30, %dma_start3A_94] : memref<320000x128xf32, #tpu.memory_space<hbm>> -> memref<80x128xf32, #tpu.memory_space<hbm>>
      %dma_start3A_96 = arith.constant 0 : i32
      %dma_start3A_97 = tpu.memref_slice %arg4[%add3A_30, %dma_start3A_96] : memref<320000x128xf32, #tpu.memory_space<hbm>> -> memref<80x128xf32, #tpu.memory_space<hbm>>
      %dma_start3A_98 = arith.constant 0 : i32
      %dma_start3A_99 = arith.constant 0 : i32
      %dma_start3A_100 = tpu.memref_slice %arg6[%run_scoped3A, %dma_start3A_98, %dma_start3A_99] : memref<2x80x128xf32, #tpu.memory_space<vmem>> -> memref<1x80x128xf32, #tpu.memory_space<vmem>>
      %dma_start3A_101 = tpu.memref_squeeze %dma_start3A_100 : memref<1x80x128xf32, #tpu.memory_space<vmem>> -> memref<80x128xf32, #tpu.memory_space<vmem>>
      tpu.enqueue_dma source(%dma_start3A_101 : memref<80x128xf32, #tpu.memory_space<vmem>>) target(%dma_start3A_97 : memref<80x128xf32, #tpu.memory_space<hbm>>) target_semaphore(%run_scoped3A_89 : memref<!tpu.dma_semaphore, #tpu.memory_space<semaphore_mem>>)
      %dma_wait3A_102 = arith.constant 0 : i32
      %dma_wait3A_103 = arith.constant 0 : i32
      %dma_wait3A_104 = tpu.memref_slice %arg6[%run_scoped3A, %dma_wait3A_102, %dma_wait3A_103] : memref<2x80x128xf32, #tpu.memory_space<vmem>> -> memref<1x80x128xf32, #tpu.memory_space<vmem>>
      %dma_wait3A_105 = tpu.memref_squeeze %dma_wait3A_104 : memref<1x80x128xf32, #tpu.memory_space<vmem>> -> memref<80x128xf32, #tpu.memory_space<vmem>>
      %dma_wait3A_106 = arith.constant 0 : i32
      %dma_wait3A_107 = tpu.memref_slice %arg4[%add3A_30, %dma_wait3A_106] : memref<320000x128xf32, #tpu.memory_space<hbm>> -> memref<80x128xf32, #tpu.memory_space<hbm>>
      %dma_wait3A_108 = arith.constant 0 : i32
      %dma_wait3A_109 = tpu.memref_slice %arg4[%add3A_30, %dma_wait3A_108] : memref<320000x128xf32, #tpu.memory_space<hbm>> -> memref<80x128xf32, #tpu.memory_space<hbm>>
      %dma_wait3A_110 = arith.constant 0 : i32
      %dma_wait3A_111 = arith.constant 0 : i32
      %dma_wait3A_112 = tpu.memref_slice %arg6[%run_scoped3A, %dma_wait3A_110, %dma_wait3A_111] : memref<2x80x128xf32, #tpu.memory_space<vmem>> -> memref<1x80x128xf32, #tpu.memory_space<vmem>>
      %dma_wait3A_113 = tpu.memref_squeeze %dma_wait3A_112 : memref<1x80x128xf32, #tpu.memory_space<vmem>> -> memref<80x128xf32, #tpu.memory_space<vmem>>
      tpu.wait_dma2 semaphore(%run_scoped3A_89 : memref<!tpu.dma_semaphore, #tpu.memory_space<semaphore_mem>>) src(%dma_wait3A_113 : memref<80x128xf32, #tpu.memory_space<vmem>>) dst(%dma_wait3A_109 : memref<80x128xf32, #tpu.memory_space<hbm>>)
      tpu.yield
    }) : () -> ()
    %dma_wait3A_76 = arith.constant 1 : i32
    %dma_wait3A_77 = arith.constant 0 : i32
    %dma_wait3A_78 = arith.constant 0 : i32
    %dma_wait3A_79 = tpu.memref_slice %arg6[%dma_wait3A_76, %dma_wait3A_77, %dma_wait3A_78] : memref<2x80x128xf32, #tpu.memory_space<vmem>> -> memref<1x80x128xf32, #tpu.memory_space<vmem>>
    %dma_wait3A_80 = tpu.memref_squeeze %dma_wait3A_79 : memref<1x80x128xf32, #tpu.memory_space<vmem>> -> memref<80x128xf32, #tpu.memory_space<vmem>>
    %dma_wait3A_81 = arith.constant 0 : i32
    %dma_wait3A_82 = tpu.memref_slice %arg4[%add3A_30, %dma_wait3A_81] : memref<320000x128xf32, #tpu.memory_space<hbm>> -> memref<80x128xf32, #tpu.memory_space<hbm>>
    %dma_wait3A_83 = arith.constant 0 : i32
    %dma_wait3A_84 = tpu.memref_slice %arg4[%add3A_30, %dma_wait3A_83] : memref<320000x128xf32, #tpu.memory_space<hbm>> -> memref<80x128xf32, #tpu.memory_space<hbm>>
    %dma_wait3A_85 = arith.constant 0 : i32
    %dma_wait3A_86 = arith.constant 0 : i32
    %dma_wait3A_87 = tpu.memref_slice %arg6[%dma_wait3A_76, %dma_wait3A_85, %dma_wait3A_86] : memref<2x80x128xf32, #tpu.memory_space<vmem>> -> memref<1x80x128xf32, #tpu.memory_space<vmem>>
    %dma_wait3A_88 = tpu.memref_squeeze %dma_wait3A_87 : memref<1x80x128xf32, #tpu.memory_space<vmem>> -> memref<80x128xf32, #tpu.memory_space<vmem>>
    tpu.wait_dma2 semaphore(%arg11 : memref<!tpu.dma_semaphore, #tpu.memory_space<semaphore_mem>>) src(%dma_wait3A_88 : memref<80x128xf32, #tpu.memory_space<vmem>>) dst(%dma_wait3A_84 : memref<80x128xf32, #tpu.memory_space<hbm>>)
    return
  }
}

</mosaic_0001>

<sc_bundles>
// kernel: _sc_gather.3.cloned.1.call-start
scs
__scs_entry_jumppad:
0x0: {  	(pc) =	sbr.rel $0x88, $3  }
0x1: {  	(tag) =	ssettag $0x0;
	lr =	simm.s32 $0x1  }
0x2: {  	[smem:$0x3F9F] =	sst lr;
	_ =	strace $0xD0000000  }
0x3: {  	_ = 	snop  }
0x4: {  	_ = 	snop  }
0x5: {  	_ = 	snop  }
0x6: {  	_ = 	snop  }
0x7: {  	_ = 	snop  }
__scs_overlays_trampoline_lowered:
0x8: {  	[smem:$0x3FAE] =	sst s0  }
0x9: {  	[smem:$0x3FAF] =	sst s1  }
0xa: {  	[smem:$0x3FB0] =	sst s2  }
0xb: {  	[smem:$0x3FB1] =	sst s3  }
0xc: {  	[smem:$0x3FB2] =	sst s4  }
0xd: {  	[smem:$0x3FB3] =	sst s5  }
0xe: {  	[smem:$0x3FB4] =	sst s6  }
0xf: {  	[smem:$0x3FB5] =	sst s7  }
0x10: {  	[smem:$0x3FB6] =	sst s8  }
0x11: {  	[smem:$0x3FB7] =	sst s9;
	s0 =	simm.s32 @!p0 $0x0  }
0x12: {  	s1 =	sld [smem:$0x3F9D];
	s0 =	simm.s32 @p0 $0x1  }
0x13: {  	[smem:$0x3FB8] =	sst s0;
	s0 =	simm.s32 @!p1 $0x0  }
0x14: {  	s2 =	sld [smem:$0x3F9C];
	s0 =	simm.s32 @p1 $0x1  }
0x15: {  	[smem:$0x3FB9] =	sst s0;
	s0 =	simm.s32 @!p2 $0x0  }
0x16: {  	s3 =	sld [smem:$0x3FDB];
	s0 =	simm.s32 @p2 $0x1  }
0x17: {  	s4 =	simm.s32 $0x1BF5;
	[smem:$0x3FBB] =	sst s0  }
0x18: {  	s0 =	sld [smem:$0x3F9E];
	_ =	swait.ge [sflag:s4], $0x0  }
0x19: {  	s7 =	sld [smem:$0x3F9F]  }
0x1a: {  	s8 =	sadd.s32 $0xFFFFE003, lr  }
0x1b: {  	s9 =	sadd.s32 $0xFFFFFEF7, lr;
	s5 =	simm.s32 $0xFFFFFFFF;
	p2 =	slt.u32 s8, $0xFFFFF086  }
0x1c: {  	p1 =	slt.u32 s9, $0xF7A;
	s5 =	simm.s32 @!p2 $0x0  }
0x1d: {  	s5 =	simm.s32 @p1 $0x1;
	p0 =	seq.s32 s7, s2  }
0x1e: {  	s7 =	smul.u32 @!p0 $0xF7A, s2;
	p2 =	seq.s32 @!p0 s5, $0x0  }
0x1f: {  	s9 =	smul.u32 $0xF7A, s1;
	s8 =	simm.s32 @!p0 $0x1BF5;
	p2 =	por !p2, p0  }
0x20: {  	[sflag:s8] =	ssyncset.s32 @!p0 $0xFFFFF086;
	s6 =	sadd.s32 @!p0 s3, s7;
	s7 =	simm.s32 @!p0 $0x108  }
0x21: {  	s3 =	sadd.s32 s3, s9;
	s6 =	sadd.s32 @!p0 $0x88, s6;
	s7 =	simm.s32 @p2 $0x1082  }
0x22: {  	[simem:s7], [sflag:s8] =	dma.local @!p0 [hbm:s6], $0xF7A  }
0x23: {  	s9 =	sor.u32 $0xD0000000, s2;
	s6 =	simm.s32 $0x108;
	_ =	swait.ge @!p0 [sflag:s8], $0x0  }
0x24: {  	s3 =	sadd.s32 $0x88, s3;
	s6 =	simm.s32 @!p1 $0x1082;
	[sflag:s4] =	ssyncset.s32 $0xFFFFF086  }
0x25: {  	[simem:s6], [sflag:s4] =	dma.local [hbm:s3], $0xF7A  }
0x26: {  	[smem:$0x3F9F] =	sst s1;
	(tag) =	ssettag s2;
	_ =	strace s9  }
0x27: {  	s1 =	sld [smem:$0x3FAF]  }
0x28: {  	s2 =	sld [smem:$0x3FB0]  }
0x29: {  	s4 =	sld [smem:$0x3FB2]  }
0x2a: {  	p0 =	seq.s32 s5, $0x0;
	s5 =	sld [smem:$0x3FB3]  }
0x2b: {  	s6 =	sld [smem:$0x3FB4]  }
0x2c: {  	s7 =	sld [smem:$0x3FB5]  }
0x2d: {  	s3 =	simm.s32 $0x108;
	s8 =	sld [smem:$0x3FB6]  }
0x2e: {  	s3 =	simm.s32 @!p0 $0x1082;
	s9 =	sld [smem:$0x3FB7]  }
0x2f: {  	lr =	sadd.s32 s0, s3;
	s0 =	sld [smem:$0x3FAE]  }
0x30: {  	s3 =	sld [smem:$0x3FB1]  }
0x31: {  	[smem:$0x3FBA] =	sst s10  }
0x32: {  	s10 =	sld [smem:$0x3FB8];
	_ =	sdelay $0x3  }
0x33: {  	p0 =	seq.s32 s10, $0x1;
	s10 =	sld [smem:$0x3FBA];
	_ =	sdelay $0x3  }
0x34: {  	[smem:$0x3FBA] =	sst s10  }
0x35: {  	s10 =	sld [smem:$0x3FB9];
	_ =	sdelay $0x3  }
0x36: {  	p1 =	seq.s32 s10, $0x1;
	s10 =	sld [smem:$0x3FBA];
	_ =	sdelay $0x3  }
0x37: {  	[smem:$0x3FBA] =	sst s10  }
0x38: {  	s10 =	sld [smem:$0x3FBB]  }
0x39: {  	_ = 	snop;
	(pc) =	sbr.ind lr, $3  }
0x3a: {  	_ = 	snop  }
0x3b: {  	_ = 	snop  }
0x3c: {  	p2 =	seq.s32 s10, $0x1;
	s10 =	sld [smem:$0x3FBA]  }
0x3d: {  	_ =	shalt  }
0x3e: {  	_ =	shalt  }
0x3f: {  	_ =	shalt  }
0x40: {  	_ =	shalt  }
0x41: {  	_ =	shalt  }
0x42: {  	_ =	shalt  }
0x43: {  	_ =	shalt  }
0x44: {  	_ =	shalt  }
0x45: {  	_ =	shalt  }
0x46: {  	_ =	shalt  }
0x47: {  	_ =	shalt  }
0x48: {  	_ =	shalt  }
0x49: {  	_ =	shalt  }
0x4a: {  	_ =	shalt  }
0x4b: {  	_ =	shalt  }
0x4c: {  	_ =	shalt  }
0x4d: {  	_ =	shalt  }
0x4e: {  	_ =	shalt  }
0x4f: {  	_ =	shalt  }
0x50: {  	_ =	shalt  }
0x51: {  	_ =	shalt  }
0x52: {  	_ =	shalt  }
0x53: {  	_ =	shalt  }
0x54: {  	_ =	shalt  }
0x55: {  	_ =	shalt  }
0x56: {  	_ =	shalt  }
0x57: {  	_ =	shalt  }
0x58: {  	_ =	shalt  }
0x59: {  	_ =	shalt  }
0x5a: {  	_ =	shalt  }
0x5b: {  	_ =	shalt  }
0x5c: {  	_ =	shalt  }
0x5d: {  	_ =	shalt  }
0x5e: {  	_ =	shalt  }
0x5f: {  	_ =	shalt  }
0x60: {  	_ =	shalt  }
0x61: {  	_ =	shalt  }
0x62: {  	_ =	shalt  }
0x63: {  	_ =	shalt  }
0x64: {  	_ =	shalt  }
0x65: {  	_ =	shalt  }
0x66: {  	_ =	shalt  }
0x67: {  	_ =	shalt  }
0x68: {  	_ =	shalt  }
0x69: {  	_ =	shalt  }
0x6a: {  	_ =	shalt  }
0x6b: {  	_ =	shalt  }
0x6c: {  	_ =	shalt  }
0x6d: {  	_ =	shalt  }
0x6e: {  	_ =	shalt  }
0x6f: {  	_ =	shalt  }
0x70: {  	_ =	shalt  }
0x71: {  	_ =	shalt  }
0x72: {  	_ =	shalt  }
0x73: {  	_ =	shalt  }
0x74: {  	_ =	shalt  }
0x75: {  	_ =	shalt  }
0x76: {  	_ =	shalt  }
0x77: {  	_ =	shalt  }
0x78: {  	_ =	shalt  }
0x79: {  	_ =	shalt  }
0x7a: {  	_ =	shalt  }
0x7b: {  	_ =	shalt  }
0x7c: {  	_ =	shalt  }
0x7d: {  	_ =	shalt  }
0x7e: {  	_ =	shalt  }
0x7f: {  	_ =	shalt  }
0x80: {  	_ =	shalt  }
0x81: {  	_ =	shalt  }
0x82: {  	_ =	shalt  }
0x83: {  	_ =	shalt  }
0x84: {  	_ =	shalt  }
0x85: {  	_ =	shalt  }
0x86: {  	_ =	shalt  }
0x87: {  	_ =	shalt  }
.Lfunc_end0:
.L_simem_size_0:
called_computation_lowered:
.L_overlay_start_0:
0x88: {  	s2 =	sld [smem:$0x3FD9]  }
0x89: {  	s3 =	sld [smem:$0x3FFE];
	_ =	sdelay $0x1  }
0x8a: {  	s1 =	srdreg.scid  }
0x8b: {  	s0 =	sand.u32 $0x1, s1  }
0x8c: {  	s18 =	sshll.u32 s0, $0xA;
	s2 =	sadd.s32 s3, s2  }
0x8d: {  	s2 =	sadd.s32 s2, s18  }
0x8e: {  	[smem:$0x3FC6] =	sst s2  }
0x8f: {  	_ = 	snop  }
0x90: {  	s2 =	sld [smem:$0x3FC9]  }
0x91: {  	s19 =	sld [smem:$0x3FC8]  }
0x92: {  	s4 =	sld [smem:$0x3FD0];
	(tm) =	ssettm $0x1  }
0x93: {  	s5 =	sld [smem:$0x3FFB];
	_ =	sdelay $0x3  }
0x94: {  	_ =	strace s5  }
0x95: {  	s5 =	sld [smem:$0x3FFC];
	_ =	sdelay $0x3  }
0x96: {  	_ =	strace s5  }
0x97: {  	s5 =	sld [smem:$0x3FFD];
	_ =	sdelay $0x3  }
0x98: {  	_ =	strace s5  }
0x99: {  	_ =	strace $0x8FFFFFFF  }
0x9a: {  	s20 =	sld [smem:$0x3FDB];
	_ =	sdelay $0x1  }
0x9b: {  	s6 =	simm.s32 $_scs_section_size  }
0x9c: {  	s7 =	simm.s32 $_size__tile_overlayer_lowered;
	s8 =	simm.s32 $_tile_overlayer_lowered  }
0x9d: {  	s23 =	simm.s32 $0x1BFF;
	s22 =	sshll.u32 s8, $0x1;
	s5 =	sadd.s32 s6, s20  }
0x9e: {  	s9 =	simm.s32 $0x0;
	s21 =	sshll.u32 s7, $0x1;
	s7 =	sadd.s32 s22, s5  }
0x9f: {  	[timem:s9], [sflag:s23] =	dma.local [hbm:s7], s21  }
0xa0: {  	_ =	swait.ge [sflag:s23], s21  }
0xa1: {  	s6 =	ssub.s32 $0x0, s21;
	[sflag:s23] =	ssyncset.done $0x0  }
0xa2: {  	[sflag:s23] =	ssyncadd.s32 s6;
	_ =	sdelay $0x1  }
0xa3: {  	s24 =	simm.s32 $0x1B8B  }
0xa4: {  	_ =	swait.ge [sflag:s24], $0x1  }
0xa5: {  	[sflag:s24] =	ssyncset.done $0x0  }
0xa6: {  	s25 =	simm.s32 $0x1B8E;
	[sflag:s24] =	ssyncadd.s32 $0xFFFFFFFF  }
0xa7: {  	s26 =	simm.s32 $execute0_lowered;
	[smem:$0x3FD2] =	sst s25  }
0xa8: {  	s6 =	sshll.u32 s26, $0x1;
	_ =	strace $0x80000046;
	[dreg:$0x1] =	wrdreg $0xFFFFFFFF  }
0xa9: {  	s28 =	simm.s32 $_size_execute0_lowered;
	s5 =	sadd.s32 s5, s6;
	[dreg:$0x0] =	wrdreg $0x0  }
0xaa: {  	s6 =	sshll.u32 s28, $0x1;
	[dreg:$0x2] =	wrdreg s5  }
0xab: {  	[dreg:$0x3] =	wrdreg s6  }
0xac: {  	[dreg:$0x4] =	wrdreg $0xC0  }
0xad: {  	_ =	task [dreg:s9], $0x5FFFF  }
0xae: {  	[dreg:$0x1] =	wrdreg $0xFFFFFFFF  }
0xaf: {  	[dreg:$0x0] =	wrdreg $0x60  }
0xb0: {  	[dreg:$0x2] =	wrdreg s2  }
0xb1: {  	[dreg:$0x3] =	wrdreg s19  }
0xb2: {  	[dreg:$0x4] =	wrdreg s4  }
0xb3: {  	[dreg:$0x5] =	wrdreg $0x9  }
0xb4: {  	_ =	task.clear_ibuf [dreg:s9], $0x6FFFF;
	_ =	strace $0x90000046  }
0xb5: {  	s29 =	simm.s32 $0x9;
	_ =	strace $0x80000048  }
0xb6: {  	_ =	swait.ge [sflag:s29], $0x1  }
0xb7: {  	[sflag:s29] =	ssyncadd.s32 $0xFFFFFFFF  }
0xb8: {  	_ =	strace $0x90000048  }
0xb9: {  	_ =	sfence  }
0xba: {  	s30 =	sld [smem:$0x0];
	_ =	sdelay $0x2  }
0xbb: {  	s31 =	sshll.u32 s1, $0xD;
	s1 =	sshrl.u32 s1, $0x2  }
0xbc: {  	s3 =	sand.u32 $0x4000, s31;
	s1 =	sadd.s32 s1, s30  }
0xbd: {  	s0 =	sor.u32 s3, s0;
	s1 =	sshll.u32 s1, $0x11  }
0xbe: {  	s0 =	sor.u32 s1, s0  }
0xbf: {  	s0 =	sadd.s32 $0x8F2B, s0  }
0xc0: {  	[sflag:s0] =	ssyncadd.remote.s32 $0x1  }
0xc1: {  	_ =	sfence.sel $0xFFFF  }
0xc2: {  	[dreg:$0x0] =	wrdreg $0xFFFFFFFF;
	(pc) =	sbr.abs _section_cstart, $3  }
0xc3: {  	[dreg:$0x1] =	wrdreg $0xFFFFFFFF  }
0xc4: {  	_ =	task.clear_ibuf [dreg:s9], $0x2FFFF;
	_ =	strace $0x9FFFFFFF  }
0xc5: {  	(tm) =	ssettm $0x7FFFFFFF  }
tec
execute0_lowered:
.L_overlay_start_1:
0x0: {  	(tag) =	ssettag $0x1  }
0x1: {  	s1 =	rddreg [dreg:$0x0]  }
0x2: {  	s14 =	rddreg [dreg:$0x1]  }
0x3: {  	s2 =	srdreg.scid;
	s0 =	stileid.u32  }
0x4: {  	s12 =	rddreg [dreg:$0x2];
	s18 =	simm.s32 $0x100;
	s19 =	simm.s32 $0x3  }
0x5: {  	s20 =	simm.s32 $0x2;
	s21 =	simm.s32 $0x2900;
	s13 =	smul.u32 $0x4E20, s0  }
0x6: {  	s22 =	simm.s32 $0x4;
	s11 =	sand.u32 $0x1, s2;
	s16 =	smul.u32 $0x4E200, s0  }
0x7: {  	s23 =	simm.s32 $0x5;
	s3 =	sshll.u32 s0, $0x1;
	s15 =	smul.u32 $0x2710, s11  }
0x8: {  	s24 =	simm.s32 $0x6;
	s5 =	sor.u32 s11, s3;
	s17 =	smul.u32 $0x27100, s11  }
0x9: {  	s25 =	simm.s32 $0x0;
	s2 =	rddreg [dreg:$0x3];
	s6 =	smul.u32 $0x2710, s5  }
0xa: {  	s3 =	simm.s32 $0x0;
	s4 =	ssub.s32 $0x2, s11;
	s8 =	smul.u32 $0x138800, s5  }
0xb: {  	[smem:$0x7FF] =	sst s3;
	s7 =	sshrl.u32 s4, $0x1;
	s9 =	smul.u32 $0x27100, s5  }
0xc: {  	_ =	strace $0x80000047;
	s7 =	ssub.s32 s4, s7;
	s13 =	sadd.s32 s15, s13  }
0xd: {  	s26 =	sshrl.u32 s6, $0x3;
	s10 =	sadd.s32 $0x50, s6;
	s28 =	sshrl.u32 s8, $0x3  }
0xe: {  	s7 =	smax.u32 s7, $0x1;
	s8 =	sadd.s32 s12, s9;
	s15 =	sadd.s32 $0x190, s13  }
0xf: {  	s30 =	sadd.s32 $0x140, s13;
	s4 =	sadd.s32 s14, s26;
	s29 =	sshrl.u32 s10, $0x3  }
0x10: {  	s6 =	sadd.s32 s12, s28;
	s10 =	sshll.u32 s10, $0x4;
	s15 =	sshrl.u32 s15, $0x3  }
.Ltmp0:
0x11: {  	s31 =	sshrl.u32 s30, $0x3;
	s5 =	sadd.s32 s14, s29;
	(pc) =	sbr.rel .LBB2_1-.Ltmp0, $4  }
0x12: {  	s6 =	sadd.s32 $0x26C00, s6;
	s9 =	sadd.s32 $0x14, s4;
	s10 =	sadd.s32 s12, s10  }
0x13: {  	s11 =	sadd.s32 $0x1E, s4;
	s12 =	sadd.s32 s16, s12;
	s13 =	sadd.s32 s15, s14  }
0x14: {  	s14 =	sadd.s32 s31, s14;
	s15 =	simm.s32 $0x80;
	s12 =	sadd.s32 s17, s12  }
0x15: {  	s16 =	simm.s32 $0x1;
	s17 =	simm.s32 $0x50;
	s12 =	sadd.s32 $0xF00, s12  }
.LBB2_4:
0x16: {  	_ =	swait.ge [sflag:s16], $0x50  }
0x17: {  	[sflag:s16] =	ssyncset.done $0x0  }
0x18: {  	[sflag:s16] =	ssyncadd.s32 $0xFFFFFFB0  }
0x19: {  	_ =	swait.ge [sflag:s22], $0x2800  }
0x1a: {  	[sflag:s22] =	ssyncset.done $0x0  }
0x1b: {  	[sflag:s22] =	ssyncadd.s32 $0xFFFFD800  }
0x1c: {  	[tilespmem:s18], [sflag:$0x3] =	stream.indirect.gather [hbm4b:s1+s17], $0x80, s3, s17, $0xb8;
	[tilespmem:$0x5100] =	vst v63  }
0x1d: {  	_ =	swait.ge [sflag:s19], $0x2800  }
0x1e: {  	[sflag:s19] =	ssyncset.done $0x0  }
0x1f: {  	s25 =	sadd.s32 $0x1, s25;
	[sflag:s19] =	ssyncadd.s32 $0xFFFFD800  }
0x20: {  	[hbm4b:s6+s3] =	stream.linear.scatter [tilespmem:s18], [sflag:$0x6], $0x2800, $0x38;
	[tilespmem:$0x5100] =	vst v63  }
0x21: {  	p0 =	sne.s32 s25, s7;
	_ =	swait.ge [sflag:s24], $0x2800  }
.Ltmp1:
0x22: {  	[sflag:s24] =	ssyncset.done $0x0;
	(pc) =	sbr.rel @!p0 .LBB2_5-.Ltmp1, $4  }
0x23: {  	[sflag:s24] =	ssyncadd.s32 $0xFFFFD800  }
0x24: {  	_ =	swait.ge [sflag:s23], $0x2800  }
0x25: {  	[sflag:s23] =	ssyncset.done $0x0  }
0x26: {  	[sflag:s23] =	ssyncadd.s32 $0xFFFFD800  }
.LBB2_1:
0x27: {  	[tilespmem:s3], [sflag:$0x1] =	stream.linear.gather [hbm4b:s4+s3], $0x50, $0x38;
	[tilespmem:$0x5100] =	vst v63  }
0x28: {  	_ = 	snop  }
0x29: {  	[tilespmem:s15], [sflag:$0x2] =	stream.linear.gather [hbm4b:s5+s3], $0x50, $0x38;
	[tilespmem:$0x5100] =	vst v63  }
0x2a: {  	_ =	swait.ge [sflag:s16], $0x50  }
0x2b: {  	[sflag:s16] =	ssyncset.done $0x0  }
0x2c: {  	[sflag:s16] =	ssyncadd.s32 $0xFFFFFFB0  }
0x2d: {  	[tilespmem:s18], [sflag:$0x3] =	stream.indirect.gather [hbm4b:s1+s17], $0x80, s3, s17, $0xb8;
	[tilespmem:$0x5100] =	vst v63  }
0x2e: {  	_ =	swait.ge [sflag:s19], $0x2800  }
0x2f: {  	[sflag:s19] =	ssyncset.done $0x0  }
0x30: {  	[sflag:s19] =	ssyncadd.s32 $0xFFFFD800  }
0x31: {  	[hbm4b:s8+s3] =	stream.linear.scatter [tilespmem:s18], [sflag:$0x4], $0x2800, $0x38;
	[tilespmem:$0x5100] =	vst v63  }
0x32: {  	_ = 	snop  }
0x33: {  	[tilespmem:s3], [sflag:$0x1] =	stream.linear.gather [hbm4b:s9+s3], $0x50, $0x38;
	[tilespmem:$0x5100] =	vst v63  }
0x34: {  	_ =	swait.ge [sflag:s20], $0x50  }
0x35: {  	[sflag:s20] =	ssyncset.done $0x0  }
0x36: {  	[sflag:s20] =	ssyncadd.s32 $0xFFFFFFB0  }
0x37: {  	[tilespmem:s21], [sflag:$0x3] =	stream.indirect.gather [hbm4b:s1+s17], $0x80, s15, s17, $0xb8;
	[tilespmem:$0x5100] =	vst v63  }
0x38: {  	_ =	swait.ge [sflag:s19], $0x2800  }
0x39: {  	[sflag:s19] =	ssyncset.done $0x0  }
0x3a: {  	[sflag:s19] =	ssyncadd.s32 $0xFFFFD800  }
0x3b: {  	[hbm4b:s10+s3] =	stream.linear.scatter [tilespmem:s21], [sflag:$0x5], $0x2800, $0x38;
	[tilespmem:$0x5100] =	vst v63  }
0x3c: {  	s26 =	simm.s32 $0x0;
	s28 =	smov.u32 s12  }
0x3d: {  	[tilespmem:s15], [sflag:$0x2] =	stream.linear.gather [hbm4b:s11+s3], $0x50, $0x38;
	[tilespmem:$0x5100] =	vst v63  }
.LBB2_2:
0x3e: {  	_ =	swait.ge [sflag:s16], $0x50  }
0x3f: {  	[sflag:s16] =	ssyncset.done $0x0  }
0x40: {  	[sflag:s16] =	ssyncadd.s32 $0xFFFFFFB0  }
0x41: {  	_ =	swait.ge [sflag:s22], $0x2800  }
0x42: {  	[sflag:s22] =	ssyncset.done $0x0  }
0x43: {  	[sflag:s22] =	ssyncadd.s32 $0xFFFFD800  }
0x44: {  	[tilespmem:s18], [sflag:$0x3] =	stream.indirect.gather [hbm4b:s1+s17], $0x80, s3, s17, $0xb8;
	[tilespmem:$0x5100] =	vst v63  }
0x45: {  	_ =	swait.ge [sflag:s19], $0x2800  }
0x46: {  	[sflag:s19] =	ssyncset.done $0x0  }
0x47: {  	s29 =	sadd.s32 $0xFFFFFB00, s28;
	[sflag:s19] =	ssyncadd.s32 $0xFFFFD800  }
0x48: {  	[hbm4b:s29+s3] =	stream.linear.scatter [tilespmem:s18], [sflag:$0x4], $0x2800, $0x38;
	[tilespmem:$0x5100] =	vst v63  }
0x49: {  	s31 =	sadd.s32 s26, s14  }
0x4a: {  	[tilespmem:s3], [sflag:$0x1] =	stream.linear.gather [hbm4b:s31+s3], $0x50, $0x38;
	[tilespmem:$0x5100] =	vst v63  }
0x4b: {  	_ =	swait.ge [sflag:s20], $0x50  }
0x4c: {  	[sflag:s20] =	ssyncset.done $0x0  }
0x4d: {  	[sflag:s20] =	ssyncadd.s32 $0xFFFFFFB0  }
0x4e: {  	_ =	swait.ge [sflag:s23], $0x2800  }
0x4f: {  	[sflag:s23] =	ssyncset.done $0x0  }
0x50: {  	p0 =	seq.s32 s26, $0x4B0;
	[sflag:s23] =	ssyncadd.s32 $0xFFFFD800  }
0x51: {  	[tilespmem:s21], [sflag:$0x3] =	stream.indirect.gather [hbm4b:s1+s17], $0x80, s15, s17, $0xb8;
	[tilespmem:$0x5100] =	vst v63  }
.Ltmp2:
0x52: {  	_ = 	snop;
	(pc) =	sbr.rel @p0 .LBB2_4-.Ltmp2, $4  }
0x53: {  	_ =	swait.ge [sflag:s19], $0x2800  }
0x54: {  	[sflag:s19] =	ssyncset.done $0x0  }
0x55: {  	[sflag:s19] =	ssyncadd.s32 $0xFFFFD800  }
0x56: {  	[hbm4b:s28+s3] =	stream.linear.scatter [tilespmem:s21], [sflag:$0x5], $0x2800, $0x38;
	[tilespmem:$0x5100] =	vst v63  }
.Ltmp3:
0x57: {  	(pc) =	sbr.rel .LBB2_2-.Ltmp3, $3  }
0x58: {  	_ =	sdelay $0x1  }
0x59: {  	s29 =	sadd.s32 s26, s13;
	s28 =	sadd.s32 $0xA00, s28;
	s26 =	sadd.s32 $0x14, s26  }
0x5a: {  	[tilespmem:s15], [sflag:$0x2] =	stream.linear.gather [hbm4b:s29+s3], $0x50, $0x38;
	[tilespmem:$0x5100] =	vst v63  }
.LBB2_5:
0x5b: {  	_ =	sfence.sel $0x180000  }
0x5c: {  	[bflag:$0x0] =	sbarrier.arrive $0xFFFF  }
0x5d: {  	p0 =	sne.s32 s0, $0x0;
	_ =	strace $0x90000047  }
0x5e: {  	s0 =	sadd.s32 @!p0 $0x100000, s2;
	[bflag:$0x2] =	sbarrier.arrive $0xFFFF  }
0x5f: {  	[sflag:s0] =	ssyncadd.tile.s32 @!p0 $0x1;
	_ =	shalt  }
.Lfunc_end2:
_tile_overlayer_lowered:
.L_overlay_start_2:
0x60: {  	(tag) =	ssettag $0x2  }
0x61: {  	s0 =	rddreg [dreg:$0x0];
	s2 =	stileid.u32  }
0x62: {  	s1 =	rddreg [dreg:$0x1];
	p0 =	sne.s32 s2, $0x0  }
0x63: {  	s3 =	rddreg [dreg:$0x2];
	[bflag:$0x3] =	sbarrier.arrive $0xFFFF;
	s2 =	simm.s32 @!p0 $0x1C06  }
0x64: {  	[timem:s3], [sflag:s2] =	dma.local @!p0 [hbm:s0], s1  }
0x65: {  	s0 =	simm.s32 @!p0 $0x6  }
0x66: {  	_ =	swait.ge @!p0 [sflag:s0], s1  }
0x67: {  	s1 =	ssub.s32 @!p0 $0x0, s1;
	[sflag:s0] =	ssyncset.done @!p0 $0x0  }
0x68: {  	[sflag:s0] =	ssyncadd.s32 @!p0 s1  }
0x69: {  	[bflag:$0x3] =	sbarrier.arrive $0xFFFF  }
0x6a: {  	_ =	shalt  }

</sc_bundles>
